<compile_context>
chip_gen: v7x
topology: tpu7x:2x2x1
jax: 0.10.2.dev20260603
libtpu: 0.0.44.dev20260713+nightly
codegen_flags: <defaults>
</compile_context>

<pallas_src>
import functools

import jax
import jax.numpy as jnp
from jax import lax
from jax.experimental import pallas as pl
from jax.experimental.pallas import tpu as pltpu
from jax.experimental.pallas import tpu_sc as plsc

_PATCH = 16
_ROWS = 20
_N = 1024
_L = 16
_NCHUNK = _N // _L
_KEY_BITS = 23
_BUCKET_SHIFT = 15
_LOW_MASK = (1 << _BUCKET_SHIFT) - 1
_NBUCKET = 1 << (_KEY_BITS - _BUCKET_SHIFT)
_SENTINEL = 0x7FFFFFFF


def _sc_body(ratio_hbm, rand_hbm, out_hbm, row_v, m_v, ratio_v, hist_v,
             comp_v, out_v, sem_row, sem_ratio):
    wid = lax.axis_index("s") * 2 + lax.axis_index("c")

    @pl.when(wid < _ROWS)
    def _():
        cp_row = pltpu.make_async_copy(rand_hbm.at[wid], row_v, sem_row)
        cp_row.start()
        cp_ratio = pltpu.make_async_copy(ratio_hbm, ratio_v, sem_ratio)
        cp_ratio.start()
        lane = lax.iota(jnp.int32, _L)
        ones = jnp.ones((_L,), jnp.int32)
        zeros = jnp.zeros((_L,), jnp.int32)

        def zero_body(i, carry):
            hist_v[pl.ds(i * _L, _L)] = zeros
            return carry

        lax.fori_loop(0, _NBUCKET // _L, zero_body, 0)
        cp_row.wait()
        cp_ratio.wait()

        def pass_a(i, carry):
            x = row_v[pl.ds(i * _L, _L)]
            m = (x * float(1 << _KEY_BITS)).astype(jnp.int32)
            m_v[pl.ds(i * _L, _L)] = m
            plsc.addupdate_scatter(hist_v, [m >> _BUCKET_SHIFT], ones)
            return carry

        lax.fori_loop(0, _NCHUNK, pass_a, 0, unroll=2)

        ratio = ratio_v[...]
        k_vec = (ratio * float(_N)).astype(jnp.int32)

        def scan_hist(i, carry):
            run, b_acc, cb_acc = carry
            h = hist_v[pl.ds(i * _L, _L)]
            cum = plsc.cumsum(h) + run
            lt = cum < k_vec
            return (jnp.broadcast_to(jnp.max(cum), (_L,)),
                    b_acc + jnp.where(lt, 1, 0),
                    cb_acc + jnp.where(lt, h, 0))

        _, b_acc, cb_acc = lax.fori_loop(0, _NBUCKET // _L, scan_hist,
                                         (zeros, zeros, zeros))
        b_vec = jnp.broadcast_to(jnp.sum(b_acc), (_L,))
        cb_vec = jnp.broadcast_to(jnp.sum(cb_acc), (_L,))
        rrem = k_vec - cb_vec
        valid = k_vec > 0

        comp_v[...] = jnp.full((_L,), _SENTINEL, jnp.int32)

        def pass_b(i, off):
            m = m_v[pl.ds(i * _L, _L)]
            bkt = m >> _BUCKET_SHIFT
            out_v[pl.ds(i * _L, _L)] = jnp.where((bkt < b_vec) & valid, 1, 0)
            inb = bkt == b_vec
            pc = plsc.cumsum(jnp.where(inb, 1, 0))
            comb = ((m & _LOW_MASK) << 10) | (lane + i * _L)
            plsc.store_scatter(comp_v, [off + pc - 1], comb, mask=inb)
            return off + plsc.all_reduce_population_count(inb)

        lax.fori_loop(0, _NCHUNK, pass_b, zeros, unroll=2)

        srt = jnp.sort(comp_v[...])
        sel_val = jnp.where((lane < rrem) & valid, 1, 0)
        plsc.store_scatter(out_v, [srt & (_N - 1)], sel_val,
                           mask=srt != _SENTINEL)
        pltpu.sync_copy(out_v, out_hbm.at[wid])


@functools.partial(jax.jit, static_argnums=())
def _run_sc(ratio_rep, rand):
    mesh = plsc.VectorSubcoreMesh(core_axis_name="c", subcore_axis_name="s")
    fn = pl.kernel(
        _sc_body,
        out_type=jax.ShapeDtypeStruct((_ROWS, _N), jnp.int32),
        mesh=mesh,
        scratch_types=[
            pltpu.VMEM((_N,), jnp.float32),
            pltpu.VMEM((_N,), jnp.int32),
            pltpu.VMEM((_L,), jnp.float32),
            pltpu.VMEM((_NBUCKET,), jnp.int32),
            pltpu.VMEM((_L,), jnp.int32),
            pltpu.VMEM((_N,), jnp.int32),
            pltpu.SemaphoreType.DMA,
            pltpu.SemaphoreType.DMA,
        ],
        compiler_params=pltpu.CompilerParams(needs_layout_passes=False),
    )
    return fn(ratio_rep, rand)


def kernel(mask_frame, mask_ratio):
    B, T, C, H, W = mask_frame.shape
    h = H // _PATCH
    w = W // _PATCH
    rand = jax.random.uniform(jax.random.key(42), (_ROWS, _N),
                              dtype=jnp.float32)
    ratio_rep = jnp.broadcast_to(mask_ratio.astype(jnp.float32), (_L,))
    out = _run_sc(ratio_rep, rand)
    return out.astype(jnp.bool_).reshape(B, T, h, w)

# --- scband reference (transcript-rebuilt; emitter-appended) ---
"""Pipeline reference for scband-random-dynamic-mask-syetem-51685636440890 (READ-ONLY COPY).

The authoritative reference and input builder live on the scoring server;
editing this copy changes nothing except your own understanding.
"""

import jax, jax.numpy as jnp
import numpy as np


def setup_inputs(seed: int = 0) -> dict:
    key = jax.random.key(seed)
    k1, k2 = jax.random.split(key)
    mask_frame = jax.random.normal(k1, (4, 5, 3, 512, 512), dtype=jnp.float32)
    mask_ratio = jax.random.uniform(k2, (), dtype=jnp.float32)
    return {"mask_frame": mask_frame, "mask_ratio": mask_ratio}


def reference(mask_frame, mask_ratio):
    patch_size = 16
    B, T, C, H, W = mask_frame.shape
    h = H // patch_size
    w = W // patch_size
    N = h * w  # number of patches per frame (h_p * w_p)
    num_to_mask = jnp.floor(mask_ratio * N).astype(jnp.int32)
    # Faithful translation: for each (b, t), choose num_to_mask distinct
    # patch indices uniformly at random (torch.randperm -> take first k).
    # Equivalent formulation: draw iid uniforms, rank them via double argsort,
    # mark the num_to_mask smallest ranks. This yields exactly num_to_mask
    # uniformly-random distinct selections per (b, t).
    key = jax.random.key(42)
    rand = jax.random.uniform(key, (B, T, N), dtype=jnp.float32)
    ranks = jnp.argsort(jnp.argsort(rand, axis=-1), axis=-1)
    final_mask = ranks < num_to_mask  # bool [B, T, N]; all False if num_to_mask == 0
    final_mask = final_mask.reshape(B, T, h, w)
    return final_mask

if __name__ == "__main__":
    import jax
    _d = setup_inputs()
    print(jax.jit(kernel)(*tuple(_d.values())))

</pallas_src>

<mosaic_0001>
#map = affine_map<(d0, d1) -> (0)>
#map1 = affine_map<(d0, d1) -> (0, 0)>
module attributes {stable_mosaic.version = 14 : i64} {
  func.func @_sc_body(%arg0: i32, %arg1: i32, %arg2: memref<16xf32, #tpu.memory_space<hbm>>, %arg3: memref<20x1024xf32, #tpu.memory_space<hbm>>, %arg4: memref<20x1024xi32, #tpu.memory_space<hbm>>, %arg5: memref<1024xf32, #tpu.memory_space<vmem>>, %arg6: memref<1024xi32, #tpu.memory_space<vmem>>, %arg7: memref<16xf32, #tpu.memory_space<vmem>>, %arg8: memref<256xi32, #tpu.memory_space<vmem>>, %arg9: memref<16xi32, #tpu.memory_space<vmem>>, %arg10: memref<1024xi32, #tpu.memory_space<vmem>>, %arg11: memref<!tpu.dma_semaphore, #tpu.memory_space<semaphore_mem>>, %arg12: memref<!tpu.dma_semaphore, #tpu.memory_space<semaphore_mem>>) attributes {dimension_semantics = [#tpu.dimension_semantics<core_parallel>, #tpu.dimension_semantics<subcore_parallel>], iteration_bounds = array<i64: 2, 16>, scalar_prefetch = 0 : i64, scratch_operands = 8 : i64, tpu.core_type = #tpu.core_type<sc_vector_subcore>, window_params = [{transform_indices = #map}, {transform_indices = #map1}, {transform_indices = #map1}]} {
    %mul3A = arith.constant 2 : i32
    %mul3A_0 = arith.muli %arg1, %mul3A : i32
    %add3A = arith.addi %mul3A_0, %arg0 : i32
    %lt3A = arith.constant 20 : i32
    %lt3A_1 = arith.cmpi slt, %add3A, %lt3A : i32
    %convert_element_type3A = arith.extui %lt3A_1 : i1 to i32
    %cond3A = arith.constant 0 : i32
    %cond3A_2 = arith.cmpi ne, %convert_element_type3A, %cond3A : i32
    scf.if %cond3A_2 {
      %dma_start3A = arith.constant 0 : i32
      %dma_start3A_3 = tpu.memref_slice %arg3[%add3A, %dma_start3A] : memref<20x1024xf32, #tpu.memory_space<hbm>> -> memref<1x1024xf32, #tpu.memory_space<hbm>>
      %dma_start3A_4 = tpu.memref_squeeze %dma_start3A_3 : memref<1x1024xf32, #tpu.memory_space<hbm>> -> memref<1024xf32, #tpu.memory_space<hbm>>
      %dma_start3A_5 = arith.constant 0 : i32
      %dma_start3A_6 = tpu.memref_slice %arg3[%add3A, %dma_start3A_5] : memref<20x1024xf32, #tpu.memory_space<hbm>> -> memref<1x1024xf32, #tpu.memory_space<hbm>>
      %dma_start3A_7 = tpu.memref_squeeze %dma_start3A_6 : memref<1x1024xf32, #tpu.memory_space<hbm>> -> memref<1024xf32, #tpu.memory_space<hbm>>
      tpu.enqueue_dma source(%dma_start3A_7 : memref<1024xf32, #tpu.memory_space<hbm>>) target(%arg5 : memref<1024xf32, #tpu.memory_space<vmem>>) target_semaphore(%arg11 : memref<!tpu.dma_semaphore, #tpu.memory_space<semaphore_mem>>)
      tpu.enqueue_dma source(%arg2 : memref<16xf32, #tpu.memory_space<hbm>>) target(%arg7 : memref<16xf32, #tpu.memory_space<vmem>>) target_semaphore(%arg12 : memref<!tpu.dma_semaphore, #tpu.memory_space<semaphore_mem>>)
      %iota3A = tpu.iota {dimensions = array<i32: 0>} : vector<16xi32>
      %broadcast_in_dim3A = arith.constant 1 : i32
      %broadcast_in_dim3A_8 = vector.broadcast %broadcast_in_dim3A : i32 to vector<16xi32>
      %broadcast_in_dim3A_9 = arith.constant 0 : i32
      %broadcast_in_dim3A_10 = vector.broadcast %broadcast_in_dim3A_9 : i32 to vector<16xi32>
      %scan3A = arith.constant 0 : i32
      %scan3A_11 = arith.constant 0 : i32
      %scan3A_12 = arith.constant 16 : i32
      %scan3A_13 = arith.addi %scan3A_11, %scan3A_12 : i32
      %scan3A_14 = arith.constant 1 : i32
      scf.for %scan3A_72 = %scan3A_11 to %scan3A_13 step %scan3A_14  : i32 {
        %mul3A_73 = arith.constant 16 : i32
        %mul3A_74 = arith.muli %scan3A_72, %mul3A_73 : i32
        %swap3A_75 = arith.index_cast %mul3A_74 : i32 to index
        %swap3A_76 = tpu.vector_load %arg8[%swap3A_75] {strides = array<i32>} : memref<256xi32, #tpu.memory_space<vmem>>, vector<16xi32>,
        tpu.vector_store %arg8[%swap3A_75], %broadcast_in_dim3A_10 {strides = array<i32>} : memref<256xi32, #tpu.memory_space<vmem>>, vector<16xi32>,
      }
      %scan3A_15 = arith.constant 16 : i32
      %dma_wait3A = arith.constant 0 : i32
      %dma_wait3A_16 = tpu.memref_slice %arg3[%add3A, %dma_wait3A] : memref<20x1024xf32, #tpu.memory_space<hbm>> -> memref<1x1024xf32, #tpu.memory_space<hbm>>
      %dma_wait3A_17 = tpu.memref_squeeze %dma_wait3A_16 : memref<1x1024xf32, #tpu.memory_space<hbm>> -> memref<1024xf32, #tpu.memory_space<hbm>>
      %dma_wait3A_18 = arith.constant 0 : i32
      %dma_wait3A_19 = tpu.memref_slice %arg3[%add3A, %dma_wait3A_18] : memref<20x1024xf32, #tpu.memory_space<hbm>> -> memref<1x1024xf32, #tpu.memory_space<hbm>>
      %dma_wait3A_20 = tpu.memref_squeeze %dma_wait3A_19 : memref<1x1024xf32, #tpu.memory_space<hbm>> -> memref<1024xf32, #tpu.memory_space<hbm>>
      tpu.wait_dma2 semaphore(%arg11 : memref<!tpu.dma_semaphore, #tpu.memory_space<semaphore_mem>>) src(%dma_wait3A_20 : memref<1024xf32, #tpu.memory_space<hbm>>) dst(%arg5 : memref<1024xf32, #tpu.memory_space<vmem>>)
      tpu.wait_dma2 semaphore(%arg12 : memref<!tpu.dma_semaphore, #tpu.memory_space<semaphore_mem>>) src(%arg2 : memref<16xf32, #tpu.memory_space<hbm>>) dst(%arg7 : memref<16xf32, #tpu.memory_space<vmem>>)
      %scan3A_21 = arith.constant 0 : i32
      %scan3A_22 = arith.constant 0 : i32
      %scan3A_23 = arith.constant 64 : i32
      %scan3A_24 = arith.addi %scan3A_22, %scan3A_23 : i32
      %scan3A_25 = arith.constant 2 : i32
      scf.for %scan3A_72 = %scan3A_22 to %scan3A_24 step %scan3A_25  : i32 {
        %mul3A_73 = arith.constant 16 : i32
        %mul3A_74 = arith.muli %scan3A_72, %mul3A_73 : i32
        %get3A_75 = arith.index_cast %mul3A_74 : i32 to index
        %get3A_76 = tpu.vector_load %arg5[%get3A_75] {strides = array<i32>} : memref<1024xf32, #tpu.memory_space<vmem>>, vector<16xf32>,
        %mul3A_77 = arith.constant 0x4B000000 : f32
        %mul3A_78 = vector.broadcast %mul3A_77 : f32 to vector<16xf32>
        %mul3A_79 = arith.mulf %get3A_76, %mul3A_78 : vector<16xf32>
        %convert_element_type3A_80 = arith.fptosi %mul3A_79 : vector<16xf32> to vector<16xi32>
        %mul3A_81 = arith.constant 16 : i32
        %mul3A_82 = arith.muli %scan3A_72, %mul3A_81 : i32
        %swap3A_83 = arith.index_cast %mul3A_82 : i32 to index
        %swap3A_84 = tpu.vector_load %arg6[%swap3A_83] {strides = array<i32>} : memref<1024xi32, #tpu.memory_space<vmem>>, vector<16xi32>,
        tpu.vector_store %arg6[%swap3A_83], %convert_element_type3A_80 {strides = array<i32>} : memref<1024xi32, #tpu.memory_space<vmem>>, vector<16xi32>,
        %shift_right_arithmetic3A = arith.constant 15 : i32
        %shift_right_arithmetic3A_85 = vector.broadcast %shift_right_arithmetic3A : i32 to vector<16xi32>
        %shift_right_arithmetic3A_86 = arith.shrsi %convert_element_type3A_80, %shift_right_arithmetic3A_85 : vector<16xi32>
        tpu.vector_store_idx %arg8[%shift_right_arithmetic3A_86], %broadcast_in_dim3A_8 {add = true} : memref<256xi32, #tpu.memory_space<vmem>>[vector<16xi32>], vector<16xi32>,
        %scan3A_87 = arith.constant 1 : i32
        %scan3A_88 = arith.addi %scan3A_72, %scan3A_87 : i32
        %mul3A_89 = arith.constant 16 : i32
        %mul3A_90 = arith.muli %scan3A_88, %mul3A_89 : i32
        %get3A_91 = arith.index_cast %mul3A_90 : i32 to index
        %get3A_92 = tpu.vector_load %arg5[%get3A_91] {strides = array<i32>} : memref<1024xf32, #tpu.memory_space<vmem>>, vector<16xf32>,
        %mul3A_93 = arith.constant 0x4B000000 : f32
        %mul3A_94 = vector.broadcast %mul3A_93 : f32 to vector<16xf32>
        %mul3A_95 = arith.mulf %get3A_92, %mul3A_94 : vector<16xf32>
        %convert_element_type3A_96 = arith.fptosi %mul3A_95 : vector<16xf32> to vector<16xi32>
        %mul3A_97 = arith.constant 16 : i32
        %mul3A_98 = arith.muli %scan3A_88, %mul3A_97 : i32
        %swap3A_99 = arith.index_cast %mul3A_98 : i32 to index
        %swap3A_100 = tpu.vector_load %arg6[%swap3A_99] {strides = array<i32>} : memref<1024xi32, #tpu.memory_space<vmem>>, vector<16xi32>,
        tpu.vector_store %arg6[%swap3A_99], %convert_element_type3A_96 {strides = array<i32>} : memref<1024xi32, #tpu.memory_space<vmem>>, vector<16xi32>,
        %shift_right_arithmetic3A_101 = arith.constant 15 : i32
        %shift_right_arithmetic3A_102 = vector.broadcast %shift_right_arithmetic3A_101 : i32 to vector<16xi32>
        %shift_right_arithmetic3A_103 = arith.shrsi %convert_element_type3A_96, %shift_right_arithmetic3A_102 : vector<16xi32>
        tpu.vector_store_idx %arg8[%shift_right_arithmetic3A_103], %broadcast_in_dim3A_8 {add = true} : memref<256xi32, #tpu.memory_space<vmem>>[vector<16xi32>], vector<16xi32>,
      }
      %scan3A_26 = arith.constant 64 : i32
      %get3A = arith.constant 0 : index
      %get3A_27 = tpu.vector_load %arg7[%get3A] {strides = array<i32>} : memref<16xf32, #tpu.memory_space<vmem>>, vector<16xf32>,
      %mul3A_28 = arith.constant 1.024000e+03 : f32
      %mul3A_29 = vector.broadcast %mul3A_28 : f32 to vector<16xf32>
      %mul3A_30 = arith.mulf %get3A_27, %mul3A_29 : vector<16xf32>
      %convert_element_type3A_31 = arith.fptosi %mul3A_30 : vector<16xf32> to vector<16xi32>
      %scan3A_32 = arith.constant 0 : i32
      %scan3A_33 = arith.constant 16 : i32
      %scan3A_34 = arith.addi %scan3A_32, %scan3A_33 : i32
      %scan3A_35 = arith.constant 1 : i32
      %scan3A_36:3 = scf.for %scan3A_72 = %scan3A_32 to %scan3A_34 step %scan3A_35 iter_args(%scan3A_73 = %broadcast_in_dim3A_10, %scan3A_74 = %broadcast_in_dim3A_10, %scan3A_75 = %broadcast_in_dim3A_10) -> (vector<16xi32>, vector<16xi32>, vector<16xi32>)  : i32 {
        %mul3A_76 = arith.constant 16 : i32
        %mul3A_77 = arith.muli %scan3A_72, %mul3A_76 : i32
        %get3A_78 = arith.index_cast %mul3A_77 : i32 to index
        %get3A_79 = tpu.vector_load %arg8[%get3A_78] {strides = array<i32>} : memref<256xi32, #tpu.memory_space<vmem>>, vector<16xi32>,
        %broadcast_in_dim3A_80 = arith.constant true
        %broadcast_in_dim3A_81 = vector.broadcast %broadcast_in_dim3A_80 : i1 to vector<16xi1>
        %masked_cumsum3A = tpu.scan <sum>, %get3A_79 masked %broadcast_in_dim3A_81 : vector<16xi32>, vector<16xi1> -> vector<16xi32>
        %add3A_82 = arith.addi %masked_cumsum3A, %scan3A_73 : vector<16xi32>
        %lt3A_83 = arith.cmpi slt, %add3A_82, %convert_element_type3A_31 : vector<16xi32>
        %reduce_max3A = arith.constant true
        %reduce_max3A_84 = vector.broadcast %reduce_max3A : i1 to vector<16xi1>
        %reduce_max3A_85 = arith.constant -2147483648 : i32
        %reduce_max3A_86 = vector.broadcast %reduce_max3A_85 : i32 to vector<16xi32>
        %reduce_max3A_87 = arith.xori %add3A_82, %reduce_max3A_86 : vector<16xi32>
        %reduce_max3A_88 = tpu.scan <max>, %reduce_max3A_87 masked %reduce_max3A_84 : vector<16xi32>, vector<16xi1> -> vector<16xi32>
        %reduce_max3A_89 = arith.xori %reduce_max3A_88, %reduce_max3A_86 : vector<16xi32>
        %reduce_max3A_90 = vector.extract %reduce_max3A_89[15] : i32 from vector<16xi32>
        %broadcast_in_dim3A_91 = vector.broadcast %reduce_max3A_90 : i32 to vector<16xi32>
        %jit3A_92 = arith.constant 1 : i32
        %jit3A_93 = arith.constant 0 : i32
        %broadcast_in_dim3A_94 = vector.broadcast %jit3A_92 : i32 to vector<16xi32>
        %broadcast_in_dim3A_95 = vector.broadcast %jit3A_93 : i32 to vector<16xi32>
        %select_n3A_96 = arith.select %lt3A_83, %broadcast_in_dim3A_94, %broadcast_in_dim3A_95 : vector<16xi1>, vector<16xi32>
        %add3A_97 = arith.addi %scan3A_74, %select_n3A_96 : vector<16xi32>
        %jit3A_98 = arith.constant 0 : i32
        %broadcast_in_dim3A_99 = vector.broadcast %jit3A_98 : i32 to vector<16xi32>
        %select_n3A_100 = arith.select %lt3A_83, %get3A_79, %broadcast_in_dim3A_99 : vector<16xi1>, vector<16xi32>
        %add3A_101 = arith.addi %scan3A_75, %select_n3A_100 : vector<16xi32>
        scf.yield %broadcast_in_dim3A_91, %add3A_97, %add3A_101 : vector<16xi32>, vector<16xi32>, vector<16xi32>
      }
      %scan3A_37 = arith.constant 16 : i32
      %reduce_sum3A = arith.constant true
      %reduce_sum3A_38 = vector.broadcast %reduce_sum3A : i1 to vector<16xi1>
      %reduce_sum3A_39 = tpu.scan <sum>, %scan3A_36#1 masked %reduce_sum3A_38 : vector<16xi32>, vector<16xi1> -> vector<16xi32>
      %reduce_sum3A_40 = vector.extract %reduce_sum3A_39[15] : i32 from vector<16xi32>
      %broadcast_in_dim3A_41 = vector.broadcast %reduce_sum3A_40 : i32 to vector<16xi32>
      %reduce_sum3A_42 = arith.constant true
      %reduce_sum3A_43 = vector.broadcast %reduce_sum3A_42 : i1 to vector<16xi1>
      %reduce_sum3A_44 = tpu.scan <sum>, %scan3A_36#2 masked %reduce_sum3A_43 : vector<16xi32>, vector<16xi1> -> vector<16xi32>
      %reduce_sum3A_45 = vector.extract %reduce_sum3A_44[15] : i32 from vector<16xi32>
      %broadcast_in_dim3A_46 = vector.broadcast %reduce_sum3A_45 : i32 to vector<16xi32>
      %sub3A = arith.subi %convert_element_type3A_31, %broadcast_in_dim3A_46 : vector<16xi32>
      %gt3A = arith.constant 0 : i32
      %gt3A_47 = vector.broadcast %gt3A : i32 to vector<16xi32>
      %gt3A_48 = arith.cmpi sgt, %convert_element_type3A_31, %gt3A_47 : vector<16xi32>
      %broadcast_in_dim3A_49 = arith.constant 2147483647 : i32
      %broadcast_in_dim3A_50 = vector.broadcast %broadcast_in_dim3A_49 : i32 to vector<16xi32>
      %swap3A = arith.constant 0 : index
      %swap3A_51 = tpu.vector_load %arg9[%swap3A] {strides = array<i32>} : memref<16xi32, #tpu.memory_space<vmem>>, vector<16xi32>,
      tpu.vector_store %arg9[%swap3A], %broadcast_in_dim3A_50 {strides = array<i32>} : memref<16xi32, #tpu.memory_space<vmem>>, vector<16xi32>,
      %scan3A_52 = arith.constant 0 : i32
      %scan3A_53 = arith.constant 64 : i32
      %scan3A_54 = arith.addi %scan3A_52, %scan3A_53 : i32
      %scan3A_55 = arith.constant 2 : i32
      %scan3A_56 = scf.for %scan3A_72 = %scan3A_52 to %scan3A_54 step %scan3A_55 iter_args(%scan3A_73 = %broadcast_in_dim3A_10) -> (vector<16xi32>)  : i32 {
        %mul3A_74 = arith.constant 16 : i32
        %mul3A_75 = arith.muli %scan3A_72, %mul3A_74 : i32
        %get3A_76 = arith.index_cast %mul3A_75 : i32 to index
        %get3A_77 = tpu.vector_load %arg6[%get3A_76] {strides = array<i32>} : memref<1024xi32, #tpu.memory_space<vmem>>, vector<16xi32>,
        %shift_right_arithmetic3A = arith.constant 15 : i32
        %shift_right_arithmetic3A_78 = vector.broadcast %shift_right_arithmetic3A : i32 to vector<16xi32>
        %shift_right_arithmetic3A_79 = arith.shrsi %get3A_77, %shift_right_arithmetic3A_78 : vector<16xi32>
        %lt3A_80 = arith.cmpi slt, %shift_right_arithmetic3A_79, %broadcast_in_dim3A_41 : vector<16xi32>
        %and3A_81 = arith.andi %lt3A_80, %gt3A_48 : vector<16xi1>
        %jit3A_82 = arith.constant 1 : i32
        %jit3A_83 = arith.constant 0 : i32
        %broadcast_in_dim3A_84 = vector.broadcast %jit3A_82 : i32 to vector<16xi32>
        %broadcast_in_dim3A_85 = vector.broadcast %jit3A_83 : i32 to vector<16xi32>
        %select_n3A_86 = arith.select %and3A_81, %broadcast_in_dim3A_84, %broadcast_in_dim3A_85 : vector<16xi1>, vector<16xi32>
        %mul3A_87 = arith.constant 16 : i32
        %mul3A_88 = arith.muli %scan3A_72, %mul3A_87 : i32
        %swap3A_89 = arith.index_cast %mul3A_88 : i32 to index
        %swap3A_90 = tpu.vector_load %arg10[%swap3A_89] {strides = array<i32>} : memref<1024xi32, #tpu.memory_space<vmem>>, vector<16xi32>,
        tpu.vector_store %arg10[%swap3A_89], %select_n3A_86 {strides = array<i32>} : memref<1024xi32, #tpu.memory_space<vmem>>, vector<16xi32>,
        %eq3A = arith.cmpi eq, %shift_right_arithmetic3A_79, %broadcast_in_dim3A_41 : vector<16xi32>
        %jit3A_91 = arith.constant 1 : i32
        %jit3A_92 = arith.constant 0 : i32
        %broadcast_in_dim3A_93 = vector.broadcast %jit3A_91 : i32 to vector<16xi32>
        %broadcast_in_dim3A_94 = vector.broadcast %jit3A_92 : i32 to vector<16xi32>
        %select_n3A_95 = arith.select %eq3A, %broadcast_in_dim3A_93, %broadcast_in_dim3A_94 : vector<16xi1>, vector<16xi32>
        %broadcast_in_dim3A_96 = arith.constant true
        %broadcast_in_dim3A_97 = vector.broadcast %broadcast_in_dim3A_96 : i1 to vector<16xi1>
        %masked_cumsum3A = tpu.scan <sum>, %select_n3A_95 masked %broadcast_in_dim3A_97 : vector<16xi32>, vector<16xi1> -> vector<16xi32>
        %and3A_98 = arith.constant 32767 : i32
        %and3A_99 = vector.broadcast %and3A_98 : i32 to vector<16xi32>
        %and3A_100 = arith.andi %get3A_77, %and3A_99 : vector<16xi32>
        %shift_left3A = arith.constant 10 : i32
        %shift_left3A_101 = vector.broadcast %shift_left3A : i32 to vector<16xi32>
        %shift_left3A_102 = arith.shli %and3A_100, %shift_left3A_101 : vector<16xi32>
        %mul3A_103 = arith.constant 16 : i32
        %mul3A_104 = arith.muli %scan3A_72, %mul3A_103 : i32
        %add3A_105 = vector.broadcast %mul3A_104 : i32 to vector<16xi32>
        %add3A_106 = arith.addi %iota3A, %add3A_105 : vector<16xi32>
        %or3A = arith.ori %shift_left3A_102, %add3A_106 : vector<16xi32>
        %add3A_107 = arith.addi %scan3A_73, %masked_cumsum3A : vector<16xi32>
        %sub3A_108 = arith.constant 1 : i32
        %sub3A_109 = vector.broadcast %sub3A_108 : i32 to vector<16xi32>
        %sub3A_110 = arith.subi %add3A_107, %sub3A_109 : vector<16xi32>
        tpu.vector_store_idx %arg9[%sub3A_110], %or3A masked %eq3A : memref<16xi32, #tpu.memory_space<vmem>>[vector<16xi32>], vector<16xi32>, vector<16xi1>
        %all_reduce_population_count3A = tpu.all_reduce %eq3A {dim = 0 : i64, kind = #tpu.reduction_kind<sum>} : vector<16xi1> -> vector<16xi32>
        %add3A_111 = arith.addi %scan3A_73, %all_reduce_population_count3A : vector<16xi32>
        %scan3A_112 = arith.constant 1 : i32
        %scan3A_113 = arith.addi %scan3A_72, %scan3A_112 : i32
        %mul3A_114 = arith.constant 16 : i32
        %mul3A_115 = arith.muli %scan3A_113, %mul3A_114 : i32
        %get3A_116 = arith.index_cast %mul3A_115 : i32 to index
        %get3A_117 = tpu.vector_load %arg6[%get3A_116] {strides = array<i32>} : memref<1024xi32, #tpu.memory_space<vmem>>, vector<16xi32>,
        %shift_right_arithmetic3A_118 = arith.constant 15 : i32
        %shift_right_arithmetic3A_119 = vector.broadcast %shift_right_arithmetic3A_118 : i32 to vector<16xi32>
        %shift_right_arithmetic3A_120 = arith.shrsi %get3A_117, %shift_right_arithmetic3A_119 : vector<16xi32>
        %lt3A_121 = arith.cmpi slt, %shift_right_arithmetic3A_120, %broadcast_in_dim3A_41 : vector<16xi32>
        %and3A_122 = arith.andi %lt3A_121, %gt3A_48 : vector<16xi1>
        %jit3A_123 = arith.constant 1 : i32
        %jit3A_124 = arith.constant 0 : i32
        %broadcast_in_dim3A_125 = vector.broadcast %jit3A_123 : i32 to vector<16xi32>
        %broadcast_in_dim3A_126 = vector.broadcast %jit3A_124 : i32 to vector<16xi32>
        %select_n3A_127 = arith.select %and3A_122, %broadcast_in_dim3A_125, %broadcast_in_dim3A_126 : vector<16xi1>, vector<16xi32>
        %mul3A_128 = arith.constant 16 : i32
        %mul3A_129 = arith.muli %scan3A_113, %mul3A_128 : i32
        %swap3A_130 = arith.index_cast %mul3A_129 : i32 to index
        %swap3A_131 = tpu.vector_load %arg10[%swap3A_130] {strides = array<i32>} : memref<1024xi32, #tpu.memory_space<vmem>>, vector<16xi32>,
        tpu.vector_store %arg10[%swap3A_130], %select_n3A_127 {strides = array<i32>} : memref<1024xi32, #tpu.memory_space<vmem>>, vector<16xi32>,
        %eq3A_132 = arith.cmpi eq, %shift_right_arithmetic3A_120, %broadcast_in_dim3A_41 : vector<16xi32>
        %jit3A_133 = arith.constant 1 : i32
        %jit3A_134 = arith.constant 0 : i32
        %broadcast_in_dim3A_135 = vector.broadcast %jit3A_133 : i32 to vector<16xi32>
        %broadcast_in_dim3A_136 = vector.broadcast %jit3A_134 : i32 to vector<16xi32>
        %select_n3A_137 = arith.select %eq3A_132, %broadcast_in_dim3A_135, %broadcast_in_dim3A_136 : vector<16xi1>, vector<16xi32>
        %broadcast_in_dim3A_138 = arith.constant true
        %broadcast_in_dim3A_139 = vector.broadcast %broadcast_in_dim3A_138 : i1 to vector<16xi1>
        %masked_cumsum3A_140 = tpu.scan <sum>, %select_n3A_137 masked %broadcast_in_dim3A_139 : vector<16xi32>, vector<16xi1> -> vector<16xi32>
        %and3A_141 = arith.constant 32767 : i32
        %and3A_142 = vector.broadcast %and3A_141 : i32 to vector<16xi32>
        %and3A_143 = arith.andi %get3A_117, %and3A_142 : vector<16xi32>
        %shift_left3A_144 = arith.constant 10 : i32
        %shift_left3A_145 = vector.broadcast %shift_left3A_144 : i32 to vector<16xi32>
        %shift_left3A_146 = arith.shli %and3A_143, %shift_left3A_145 : vector<16xi32>
        %mul3A_147 = arith.constant 16 : i32
        %mul3A_148 = arith.muli %scan3A_113, %mul3A_147 : i32
        %add3A_149 = vector.broadcast %mul3A_148 : i32 to vector<16xi32>
        %add3A_150 = arith.addi %iota3A, %add3A_149 : vector<16xi32>
        %or3A_151 = arith.ori %shift_left3A_146, %add3A_150 : vector<16xi32>
        %add3A_152 = arith.addi %add3A_111, %masked_cumsum3A_140 : vector<16xi32>
        %sub3A_153 = arith.constant 1 : i32
        %sub3A_154 = vector.broadcast %sub3A_153 : i32 to vector<16xi32>
        %sub3A_155 = arith.subi %add3A_152, %sub3A_154 : vector<16xi32>
        tpu.vector_store_idx %arg9[%sub3A_155], %or3A_151 masked %eq3A_132 : memref<16xi32, #tpu.memory_space<vmem>>[vector<16xi32>], vector<16xi32>, vector<16xi1>
        %all_reduce_population_count3A_156 = tpu.all_reduce %eq3A_132 {dim = 0 : i64, kind = #tpu.reduction_kind<sum>} : vector<16xi1> -> vector<16xi32>
        %add3A_157 = arith.addi %add3A_111, %all_reduce_population_count3A_156 : vector<16xi32>
        scf.yield %add3A_157 : vector<16xi32>
      }
      %scan3A_57 = arith.constant 64 : i32
      %get3A_58 = arith.constant 0 : index
      %get3A_59 = tpu.vector_load %arg9[%get3A_58] {strides = array<i32>} : memref<16xi32, #tpu.memory_space<vmem>>, vector<16xi32>,
      %sort3A = arith.constant dense<true> : vector<16xi1>
      %sort3A_60, %sort3A_61, %sort3A_62 = tpu.sort %get3A_59, %get3A_59 masked %sort3A : (vector<16xi32>, vector<16xi32>, vector<16xi1>) -> (vector<16xi1>, vector<16xi32>, vector<16xi32>)
      %lt3A_63 = arith.cmpi slt, %iota3A, %sub3A : vector<16xi32>
      %and3A = arith.andi %lt3A_63, %gt3A_48 : vector<16xi1>
      %jit3A = arith.constant 1 : i32
      %jit3A_64 = arith.constant 0 : i32
      %broadcast_in_dim3A_65 = vector.broadcast %jit3A : i32 to vector<16xi32>
      %broadcast_in_dim3A_66 = vector.broadcast %jit3A_64 : i32 to vector<16xi32>
      %select_n3A = arith.select %and3A, %broadcast_in_dim3A_65, %broadcast_in_dim3A_66 : vector<16xi1>, vector<16xi32>
      %and3A_67 = arith.constant 1023 : i32
      %and3A_68 = vector.broadcast %and3A_67 : i32 to vector<16xi32>
      %and3A_69 = arith.andi %sort3A_61, %and3A_68 : vector<16xi32>
      %ne3A = arith.constant 2147483647 : i32
      %ne3A_70 = vector.broadcast %ne3A : i32 to vector<16xi32>
      %ne3A_71 = arith.cmpi ne, %sort3A_61, %ne3A_70 : vector<16xi32>
      tpu.vector_store_idx %arg10[%and3A_69], %select_n3A masked %ne3A_71 : memref<1024xi32, #tpu.memory_space<vmem>>[vector<16xi32>], vector<16xi32>, vector<16xi1>
      "tpu.region"() ({
        %run_scoped3A = tpu.sem_alloc : memref<!tpu.dma_semaphore, #tpu.memory_space<semaphore_mem>>
        %dma_start3A_72 = arith.constant 0 : i32
        %dma_start3A_73 = tpu.memref_slice %arg4[%add3A, %dma_start3A_72] : memref<20x1024xi32, #tpu.memory_space<hbm>> -> memref<1x1024xi32, #tpu.memory_space<hbm>>
        %dma_start3A_74 = tpu.memref_squeeze %dma_start3A_73 : memref<1x1024xi32, #tpu.memory_space<hbm>> -> memref<1024xi32, #tpu.memory_space<hbm>>
        %dma_start3A_75 = arith.constant 0 : i32
        %dma_start3A_76 = tpu.memref_slice %arg4[%add3A, %dma_start3A_75] : memref<20x1024xi32, #tpu.memory_space<hbm>> -> memref<1x1024xi32, #tpu.memory_space<hbm>>
        %dma_start3A_77 = tpu.memref_squeeze %dma_start3A_76 : memref<1x1024xi32, #tpu.memory_space<hbm>> -> memref<1024xi32, #tpu.memory_space<hbm>>
        tpu.enqueue_dma source(%arg10 : memref<1024xi32, #tpu.memory_space<vmem>>) target(%dma_start3A_77 : memref<1024xi32, #tpu.memory_space<hbm>>) target_semaphore(%run_scoped3A : memref<!tpu.dma_semaphore, #tpu.memory_space<semaphore_mem>>)
        %dma_wait3A_78 = arith.constant 0 : i32
        %dma_wait3A_79 = tpu.memref_slice %arg4[%add3A, %dma_wait3A_78] : memref<20x1024xi32, #tpu.memory_space<hbm>> -> memref<1x1024xi32, #tpu.memory_space<hbm>>
        %dma_wait3A_80 = tpu.memref_squeeze %dma_wait3A_79 : memref<1x1024xi32, #tpu.memory_space<hbm>> -> memref<1024xi32, #tpu.memory_space<hbm>>
        %dma_wait3A_81 = arith.constant 0 : i32
        %dma_wait3A_82 = tpu.memref_slice %arg4[%add3A, %dma_wait3A_81] : memref<20x1024xi32, #tpu.memory_space<hbm>> -> memref<1x1024xi32, #tpu.memory_space<hbm>>
        %dma_wait3A_83 = tpu.memref_squeeze %dma_wait3A_82 : memref<1x1024xi32, #tpu.memory_space<hbm>> -> memref<1024xi32, #tpu.memory_space<hbm>>
        tpu.wait_dma2 semaphore(%run_scoped3A : memref<!tpu.dma_semaphore, #tpu.memory_space<semaphore_mem>>) src(%arg10 : memref<1024xi32, #tpu.memory_space<vmem>>) dst(%dma_wait3A_83 : memref<1024xi32, #tpu.memory_space<hbm>>)
        tpu.yield
      }) : () -> ()
    } else {
    }
    return
  }
}

</mosaic_0001>

<sc_bundles>
// kernel: _run_sc.3.cloned.1.call-start
scs
__scs_entry_jumppad:
0x0: {  	(pc) =	sbr.rel $0x88, $3  }
0x1: {  	(tag) =	ssettag $0x0;
	lr =	simm.s32 $0x1  }
0x2: {  	[smem:$0x3F9F] =	sst lr;
	_ =	strace $0xD0000000  }
0x3: {  	_ = 	snop  }
0x4: {  	_ = 	snop  }
0x5: {  	_ = 	snop  }
0x6: {  	_ = 	snop  }
0x7: {  	_ = 	snop  }
__scs_overlays_trampoline_lowered:
0x8: {  	[smem:$0x3FAE] =	sst s0  }
0x9: {  	[smem:$0x3FAF] =	sst s1  }
0xa: {  	[smem:$0x3FB0] =	sst s2  }
0xb: {  	[smem:$0x3FB1] =	sst s3  }
0xc: {  	[smem:$0x3FB2] =	sst s4  }
0xd: {  	[smem:$0x3FB3] =	sst s5  }
0xe: {  	[smem:$0x3FB4] =	sst s6  }
0xf: {  	[smem:$0x3FB5] =	sst s7  }
0x10: {  	[smem:$0x3FB6] =	sst s8  }
0x11: {  	[smem:$0x3FB7] =	sst s9;
	s0 =	simm.s32 @!p0 $0x0  }
0x12: {  	s1 =	sld [smem:$0x3F9D];
	s0 =	simm.s32 @p0 $0x1  }
0x13: {  	[smem:$0x3FB8] =	sst s0;
	s0 =	simm.s32 @!p1 $0x0  }
0x14: {  	s2 =	sld [smem:$0x3F9C];
	s0 =	simm.s32 @p1 $0x1  }
0x15: {  	[smem:$0x3FB9] =	sst s0;
	s0 =	simm.s32 @!p2 $0x0  }
0x16: {  	s3 =	sld [smem:$0x3FDB];
	s0 =	simm.s32 @p2 $0x1  }
0x17: {  	s4 =	simm.s32 $0x1BF5;
	[smem:$0x3FBB] =	sst s0  }
0x18: {  	s0 =	sld [smem:$0x3F9E];
	_ =	swait.ge [sflag:s4], $0x0  }
0x19: {  	s7 =	sld [smem:$0x3F9F]  }
0x1a: {  	s8 =	sadd.s32 $0xFFFFE003, lr  }
0x1b: {  	s9 =	sadd.s32 $0xFFFFFEF7, lr;
	s5 =	simm.s32 $0xFFFFFFFF;
	p2 =	slt.u32 s8, $0xFFFFF086  }
0x1c: {  	p1 =	slt.u32 s9, $0xF7A;
	s5 =	simm.s32 @!p2 $0x0  }
0x1d: {  	s5 =	simm.s32 @p1 $0x1;
	p0 =	seq.s32 s7, s2  }
0x1e: {  	s7 =	smul.u32 @!p0 $0xF7A, s2;
	p2 =	seq.s32 @!p0 s5, $0x0  }
0x1f: {  	s9 =	smul.u32 $0xF7A, s1;
	s8 =	simm.s32 @!p0 $0x1BF5;
	p2 =	por !p2, p0  }
0x20: {  	[sflag:s8] =	ssyncset.s32 @!p0 $0xFFFFF086;
	s6 =	sadd.s32 @!p0 s3, s7;
	s7 =	simm.s32 @!p0 $0x108  }
0x21: {  	s3 =	sadd.s32 s3, s9;
	s6 =	sadd.s32 @!p0 $0x88, s6;
	s7 =	simm.s32 @p2 $0x1082  }
0x22: {  	[simem:s7], [sflag:s8] =	dma.local @!p0 [hbm:s6], $0xF7A  }
0x23: {  	s9 =	sor.u32 $0xD0000000, s2;
	s6 =	simm.s32 $0x108;
	_ =	swait.ge @!p0 [sflag:s8], $0x0  }
0x24: {  	s3 =	sadd.s32 $0x88, s3;
	s6 =	simm.s32 @!p1 $0x1082;
	[sflag:s4] =	ssyncset.s32 $0xFFFFF086  }
0x25: {  	[simem:s6], [sflag:s4] =	dma.local [hbm:s3], $0xF7A  }
0x26: {  	[smem:$0x3F9F] =	sst s1;
	(tag) =	ssettag s2;
	_ =	strace s9  }
0x27: {  	s1 =	sld [smem:$0x3FAF]  }
0x28: {  	s2 =	sld [smem:$0x3FB0]  }
0x29: {  	s4 =	sld [smem:$0x3FB2]  }
0x2a: {  	p0 =	seq.s32 s5, $0x0;
	s5 =	sld [smem:$0x3FB3]  }
0x2b: {  	s6 =	sld [smem:$0x3FB4]  }
0x2c: {  	s7 =	sld [smem:$0x3FB5]  }
0x2d: {  	s3 =	simm.s32 $0x108;
	s8 =	sld [smem:$0x3FB6]  }
0x2e: {  	s3 =	simm.s32 @!p0 $0x1082;
	s9 =	sld [smem:$0x3FB7]  }
0x2f: {  	lr =	sadd.s32 s0, s3;
	s0 =	sld [smem:$0x3FAE]  }
0x30: {  	s3 =	sld [smem:$0x3FB1]  }
0x31: {  	[smem:$0x3FBA] =	sst s10  }
0x32: {  	s10 =	sld [smem:$0x3FB8];
	_ =	sdelay $0x3  }
0x33: {  	p0 =	seq.s32 s10, $0x1;
	s10 =	sld [smem:$0x3FBA];
	_ =	sdelay $0x3  }
0x34: {  	[smem:$0x3FBA] =	sst s10  }
0x35: {  	s10 =	sld [smem:$0x3FB9];
	_ =	sdelay $0x3  }
0x36: {  	p1 =	seq.s32 s10, $0x1;
	s10 =	sld [smem:$0x3FBA];
	_ =	sdelay $0x3  }
0x37: {  	[smem:$0x3FBA] =	sst s10  }
0x38: {  	s10 =	sld [smem:$0x3FBB]  }
0x39: {  	_ = 	snop;
	(pc) =	sbr.ind lr, $3  }
0x3a: {  	_ = 	snop  }
0x3b: {  	_ = 	snop  }
0x3c: {  	p2 =	seq.s32 s10, $0x1;
	s10 =	sld [smem:$0x3FBA]  }
0x3d: {  	_ =	shalt  }
0x3e: {  	_ =	shalt  }
0x3f: {  	_ =	shalt  }
0x40: {  	_ =	shalt  }
0x41: {  	_ =	shalt  }
0x42: {  	_ =	shalt  }
0x43: {  	_ =	shalt  }
0x44: {  	_ =	shalt  }
0x45: {  	_ =	shalt  }
0x46: {  	_ =	shalt  }
0x47: {  	_ =	shalt  }
0x48: {  	_ =	shalt  }
0x49: {  	_ =	shalt  }
0x4a: {  	_ =	shalt  }
0x4b: {  	_ =	shalt  }
0x4c: {  	_ =	shalt  }
0x4d: {  	_ =	shalt  }
0x4e: {  	_ =	shalt  }
0x4f: {  	_ =	shalt  }
0x50: {  	_ =	shalt  }
0x51: {  	_ =	shalt  }
0x52: {  	_ =	shalt  }
0x53: {  	_ =	shalt  }
0x54: {  	_ =	shalt  }
0x55: {  	_ =	shalt  }
0x56: {  	_ =	shalt  }
0x57: {  	_ =	shalt  }
0x58: {  	_ =	shalt  }
0x59: {  	_ =	shalt  }
0x5a: {  	_ =	shalt  }
0x5b: {  	_ =	shalt  }
0x5c: {  	_ =	shalt  }
0x5d: {  	_ =	shalt  }
0x5e: {  	_ =	shalt  }
0x5f: {  	_ =	shalt  }
0x60: {  	_ =	shalt  }
0x61: {  	_ =	shalt  }
0x62: {  	_ =	shalt  }
0x63: {  	_ =	shalt  }
0x64: {  	_ =	shalt  }
0x65: {  	_ =	shalt  }
0x66: {  	_ =	shalt  }
0x67: {  	_ =	shalt  }
0x68: {  	_ =	shalt  }
0x69: {  	_ =	shalt  }
0x6a: {  	_ =	shalt  }
0x6b: {  	_ =	shalt  }
0x6c: {  	_ =	shalt  }
0x6d: {  	_ =	shalt  }
0x6e: {  	_ =	shalt  }
0x6f: {  	_ =	shalt  }
0x70: {  	_ =	shalt  }
0x71: {  	_ =	shalt  }
0x72: {  	_ =	shalt  }
0x73: {  	_ =	shalt  }
0x74: {  	_ =	shalt  }
0x75: {  	_ =	shalt  }
0x76: {  	_ =	shalt  }
0x77: {  	_ =	shalt  }
0x78: {  	_ =	shalt  }
0x79: {  	_ =	shalt  }
0x7a: {  	_ =	shalt  }
0x7b: {  	_ =	shalt  }
0x7c: {  	_ =	shalt  }
0x7d: {  	_ =	shalt  }
0x7e: {  	_ =	shalt  }
0x7f: {  	_ =	shalt  }
0x80: {  	_ =	shalt  }
0x81: {  	_ =	shalt  }
0x82: {  	_ =	shalt  }
0x83: {  	_ =	shalt  }
0x84: {  	_ =	shalt  }
0x85: {  	_ =	shalt  }
0x86: {  	_ =	shalt  }
0x87: {  	_ =	shalt  }
.Lfunc_end0:
.L_simem_size_0:
called_computation_lowered:
.L_overlay_start_0:
0x88: {  	s2 =	sld [smem:$0x3FD9]  }
0x89: {  	s3 =	sld [smem:$0x3FFE];
	_ =	sdelay $0x1  }
0x8a: {  	s1 =	srdreg.scid  }
0x8b: {  	s0 =	sand.u32 $0x1, s1  }
0x8c: {  	s18 =	sshll.u32 s0, $0xA;
	s2 =	sadd.s32 s3, s2  }
0x8d: {  	s2 =	sadd.s32 s2, s18  }
0x8e: {  	[smem:$0x3FC6] =	sst s2  }
0x8f: {  	_ = 	snop  }
0x90: {  	s2 =	sld [smem:$0x3FC9]  }
0x91: {  	s19 =	sld [smem:$0x3FC8]  }
0x92: {  	s4 =	sld [smem:$0x3FD0];
	(tm) =	ssettm $0x1  }
0x93: {  	s5 =	sld [smem:$0x3FFB];
	_ =	sdelay $0x3  }
0x94: {  	_ =	strace s5  }
0x95: {  	s5 =	sld [smem:$0x3FFC];
	_ =	sdelay $0x3  }
0x96: {  	_ =	strace s5  }
0x97: {  	s5 =	sld [smem:$0x3FFD];
	_ =	sdelay $0x3  }
0x98: {  	_ =	strace s5  }
0x99: {  	_ =	strace $0x8FFFFFFF  }
0x9a: {  	s20 =	sld [smem:$0x3FDB];
	_ =	sdelay $0x1  }
0x9b: {  	s6 =	simm.s32 $_scs_section_size  }
0x9c: {  	s7 =	simm.s32 $_size__tile_overlayer_lowered;
	s8 =	simm.s32 $_tile_overlayer_lowered  }
0x9d: {  	s23 =	simm.s32 $0x1BFF;
	s22 =	sshll.u32 s8, $0x1;
	s5 =	sadd.s32 s6, s20  }
0x9e: {  	s9 =	simm.s32 $0x0;
	s21 =	sshll.u32 s7, $0x1;
	s7 =	sadd.s32 s22, s5  }
0x9f: {  	[timem:s9], [sflag:s23] =	dma.local [hbm:s7], s21  }
0xa0: {  	_ =	swait.ge [sflag:s23], s21  }
0xa1: {  	s6 =	ssub.s32 $0x0, s21;
	[sflag:s23] =	ssyncset.done $0x0  }
0xa2: {  	[sflag:s23] =	ssyncadd.s32 s6;
	_ =	sdelay $0x1  }
0xa3: {  	s24 =	simm.s32 $0x1B8B  }
0xa4: {  	_ =	swait.ge [sflag:s24], $0x1  }
0xa5: {  	[sflag:s24] =	ssyncset.done $0x0  }
0xa6: {  	s25 =	simm.s32 $0x1B8E;
	[sflag:s24] =	ssyncadd.s32 $0xFFFFFFFF  }
0xa7: {  	s26 =	simm.s32 $execute0_lowered;
	[smem:$0x3FD2] =	sst s25  }
0xa8: {  	s6 =	sshll.u32 s26, $0x1;
	_ =	strace $0x80000046;
	[dreg:$0x1] =	wrdreg $0xFFFFFFFF  }
0xa9: {  	s28 =	simm.s32 $_size_execute0_lowered;
	s5 =	sadd.s32 s5, s6;
	[dreg:$0x0] =	wrdreg $0x0  }
0xaa: {  	s6 =	sshll.u32 s28, $0x1;
	[dreg:$0x2] =	wrdreg s5  }
0xab: {  	[dreg:$0x3] =	wrdreg s6  }
0xac: {  	[dreg:$0x4] =	wrdreg $0xC0  }
0xad: {  	_ =	task [dreg:s9], $0x5FFFF  }
0xae: {  	[dreg:$0x1] =	wrdreg $0xFFFFFFFF  }
0xaf: {  	[dreg:$0x0] =	wrdreg $0x60  }
0xb0: {  	[dreg:$0x2] =	wrdreg s2  }
0xb1: {  	[dreg:$0x3] =	wrdreg s19  }
0xb2: {  	[dreg:$0x4] =	wrdreg s4  }
0xb3: {  	[dreg:$0x5] =	wrdreg $0x9  }
0xb4: {  	_ =	task.clear_ibuf [dreg:s9], $0x6FFFF;
	_ =	strace $0x90000046  }
0xb5: {  	s29 =	simm.s32 $0x9;
	_ =	strace $0x80000048  }
0xb6: {  	_ =	swait.ge [sflag:s29], $0x1  }
0xb7: {  	[sflag:s29] =	ssyncadd.s32 $0xFFFFFFFF  }
0xb8: {  	_ =	strace $0x90000048  }
0xb9: {  	_ =	sfence  }
0xba: {  	s30 =	sld [smem:$0x0];
	_ =	sdelay $0x2  }
0xbb: {  	s31 =	sshll.u32 s1, $0xD;
	s1 =	sshrl.u32 s1, $0x2  }
0xbc: {  	s3 =	sand.u32 $0x4000, s31;
	s1 =	sadd.s32 s1, s30  }
0xbd: {  	s0 =	sor.u32 s3, s0;
	s1 =	sshll.u32 s1, $0x11  }
0xbe: {  	s0 =	sor.u32 s1, s0  }
0xbf: {  	s0 =	sadd.s32 $0x8F2B, s0  }
0xc0: {  	[sflag:s0] =	ssyncadd.remote.s32 $0x1  }
0xc1: {  	_ =	sfence.sel $0xFFFF  }
0xc2: {  	[dreg:$0x0] =	wrdreg $0xFFFFFFFF;
	(pc) =	sbr.abs _section_cstart, $3  }
0xc3: {  	[dreg:$0x1] =	wrdreg $0xFFFFFFFF  }
0xc4: {  	_ =	task.clear_ibuf [dreg:s9], $0x2FFFF;
	_ =	strace $0x9FFFFFFF  }
0xc5: {  	(tm) =	ssettm $0x7FFFFFFF  }
tec
execute0_lowered:
.L_overlay_start_1:
0x0: {  	(tag) =	ssettag $0x1  }
0x1: {  	s2 =	stileid.u32  }
0x2: {  	p0 =	sgt.u32 s2, $0x9  }
.Ltmp0:
0x3: {  	s1 =	rddreg [dreg:$0x0];
	(pc) =	sbr.rel @p0 .LBB2_9-.Ltmp0, $4  }
0x4: {  	s5 =	rddreg [dreg:$0x1]  }
0x5: {  	s4 =	rddreg [dreg:$0x2];
	s3 =	simm.s32 $0x0  }
0x6: {  	[smem:$0x7FF] =	sst s3  }
0x7: {  	s0 =	rddreg [dreg:$0x3];
	_ =	strace $0x80000047  }
0x8: {  	s6 =	srdreg.scid  }
0x9: {  	s7 =	sshll.u32 s2, $0x5;
	s8 =	sshll.u32 s2, $0x8;
	s10 =	simm.s32 $0x1  }
0xa: {  	s11 =	simm.s32 $0x2;
	s12 =	simm.s32 $0x880;
	s13 =	simm.s32 $0x980  }
0xb: {  	s14 =	simm.s32 $0xA00;
	s15 =	simm.s32 $0x3;
	s6 =	sand.u32 $0x1, s6  }
0xc: {  	s16 =	simm.s32 $0x0;
	s7 =	sand.u32 $0x60, s7;
	s9 =	sshll.u32 s6, $0x4  }
0xd: {  	s8 =	sand.u32 $0xC00, s8;
	s6 =	ssub.s32 $0x2, s6;
	s7 =	sor.u32 s9, s7  }
0xe: {  	s31 =	sshrl.u32 s6, $0x1;
	s9 =	simm.s32 $0x800;
	s7 =	sor.u32 s8, s7  }
0xf: {  	v0 =	vimm.s32 $0x0;
	s6 =	ssub.s32 s6, s31;
	s8 =	simm.s32 $0x400;
	s4 =	sadd.s32 s4, s7  }
0x10: {  	v1 =	vimm.s32 $0x1;
	v2 =	vimm.s32 $0x7FFFFFFF;
	v3 =	vlaneseq.u32;
	s5 =	sadd.s32 s5, s7;
	s6 =	smax.u32 s6, $0x1;
	s7 =	simm.s32 $0x80  }
.LBB2_2:
0x11: {  	[tilespmem:s3], [sflag:$0x1] =	stream.strided.gather [hbm4b:s5+s7], $0x400, s8, s7, $0x38;
	[tilespmem:$0xE00] =	vst v63  }
0x12: {  	_ = 	snop  }
0x13: {  	[tilespmem:s9], [sflag:$0x2] =	stream.linear.gather [hbm4b:s1+s3], $0x80, $0x38;
	[tilespmem:$0xE00] =	vst v63  }
0x14: {  	[tilespmem:$0x880] =	vst v0  }
0x15: {  	[tilespmem:$0x890] =	vst v0  }
0x16: {  	[tilespmem:$0x8A0] =	vst v0  }
0x17: {  	[tilespmem:$0x8B0] =	vst v0  }
0x18: {  	[tilespmem:$0x8C0] =	vst v0  }
0x19: {  	[tilespmem:$0x8D0] =	vst v0  }
0x1a: {  	[tilespmem:$0x8E0] =	vst v0  }
0x1b: {  	[tilespmem:$0x8F0] =	vst v0  }
0x1c: {  	[tilespmem:$0x900] =	vst v0  }
0x1d: {  	[tilespmem:$0x910] =	vst v0  }
0x1e: {  	[tilespmem:$0x920] =	vst v0  }
0x1f: {  	[tilespmem:$0x930] =	vst v0  }
0x20: {  	[tilespmem:$0x940] =	vst v0  }
0x21: {  	[tilespmem:$0x950] =	vst v0  }
0x22: {  	[tilespmem:$0x960] =	vst v0  }
0x23: {  	[tilespmem:$0x970] =	vst v0  }
0x24: {  	_ =	swait.ge [sflag:s10], $0x400  }
0x25: {  	[sflag:s10] =	ssyncset.done $0x0  }
0x26: {  	[sflag:s10] =	ssyncadd.s32 $0xFFFFFC00  }
0x27: {  	_ =	swait.ge [sflag:s11], $0x80  }
0x28: {  	s17 =	simm.s32 $0xFFFFFFFE;
	[sflag:s11] =	ssyncset.done $0x0  }
0x29: {  	s18 =	simm.s32 $0x410;
	s19 =	simm.s32 $0x10;
	[sflag:s11] =	ssyncadd.s32 $0xFFFFFF80  }
.LBB2_3:
0x2a: {  	v4 =	vld [tilespmem:s19+$0xFFFFFFF0];
	_ =	sdelay $0x4  }
0x2b: {  	v4 =	vmul.f32 $8.388608000e+06, v4;
	_ =	sdelay $0x1  }
0x2c: {  	v4 =	vtrunc.f32 v4  }
0x2d: {  	v4 =	vcvt.f32.s32 v4;
	_ =	sdelay $0x1  }
0x2e: {  	v5 =	vshra.s32 v4, $0xF;
	_ =	sdelay $0x3  }
0x2f: {  	[tilespmem:s18+$0xFFFFFFF0] =	vst v4  }
0x30: {  	[tilespmem:v5+s12+$0x0] =	vst.idx.add.s32.msk $0xffff, v1  }
0x31: {  	v4 =	vld [tilespmem:s19+$0x0];
	_ =	sdelay $0x4  }
0x32: {  	v4 =	vmul.f32 $8.388608000e+06, v4;
	_ =	sdelay $0x1  }
0x33: {  	v4 =	vtrunc.f32 v4  }
0x34: {  	v4 =	vcvt.f32.s32 v4  }
0x35: {  	s17 =	sadd.s32 $0x2, s17  }
0x36: {  	p0 =	slt.u32 s17, $0x3E;
	v5 =	vshra.s32 v4, $0xF  }
.Ltmp1:
0x37: {  	_ = 	snop;
	(pc) =	sbr.rel @p0 .LBB2_3-.Ltmp1, $3  }
0x38: {  	_ =	sdelay $0x1  }
0x39: {  	[tilespmem:s18+$0x0] =	vst v4  }
0x3a: {  	s19 =	sadd.s32 $0x20, s19;
	s18 =	sadd.s32 $0x20, s18;
	[tilespmem:v5+s12+$0x0] =	vst.idx.add.s32.msk $0xffff, v1  }
0x3b: {  	s17 =	simm.s32 $0x0  }
0x3c: {  	v5 =	vld [tilespmem:s17+$0x880];
	_ =	sdelay $0x4  }
0x3d: {  	(xrf0) =	vadd.scan.msk.s32 $0xffff, v5;
	_ =	sdelay $0x5  }
0x3e: {  	v7 =	vimm.s32 $0x0;
	v6, _, _ =	vpop (xrf0)  }
0x3f: {  	v6 =	vadd.s32 v7, v6  }
0x40: {  	v8 =	vxor.u32 $0x80000000, v6  }
0x41: {  	v4 =	vld [tilespmem:$0x800];
	(xrf0) =	vmax.scan.msk.u32 $0xffff, v8;
	_ =	sdelay $0x4  }
0x42: {  	v4 =	vmul.f32 $1.024000000e+03, v4  }
0x43: {  	v8, _, _ =	vpop (xrf0)  }
0x44: {  	v4 =	vtrunc.f32 v4;
	(v2sf) =	vpush v8, $0xF  }
0x45: {  	v4 =	vcvt.f32.s32 v4;
	_ =	sdelay $0x1  }
0x46: {  	vm0 =	vlt.s32 v6, v4  }
0x47: {  	v6 =	vsel vm0, $0x1, v0;
	v5 =	vnsel vm0, $0x0, v5  }
0x48: {  	s18 =	simm.s32 $0x10;
	s17 =	simm.s32 $0x80;
	v6 =	vadd.s32 v6, v7;
	v5 =	vadd.s32 v7, v5  }
.LBB2_5:
0x49: {  	p0 =	sne.s32 s17, $0x3C0;
	v7 =	vld [tilespmem:s18+$0x880];
	_ =	sdelay $0x4  }
0x4a: {  	(xrf0) =	vadd.scan.msk.s32 $0xffff, v7;
	_ =	sdelay $0x3  }
0x4b: {  	s18 =	spop (v2sf)  }
0x4c: {  	s18 =	sxor.u32 $0x80000000, s18  }
0x4d: {  	v8, _, _ =	vpop (xrf0);
	v9 =	vmov s18  }
0x4e: {  	v8 =	vadd.s32 v9, v8  }
0x4f: {  	vm0 =	vlt.s32 v8, v4;
	v8 =	vxor.u32 $0x80000000, v8  }
0x50: {  	v9 =	vsel vm0, $0x1, v0;
	v7 =	vnsel vm0, $0x0, v7;
	(xrf0) =	vmax.scan.msk.u32 $0xffff, v8  }
0x51: {  	v6 =	vadd.s32 v9, v6;
	v5 =	vadd.s32 v5, v7;
	_ =	sdelay $0x4  }
0x52: {  	v7, _, _ =	vpop (xrf0)  }
0x53: {  	(v2sf) =	vpush v7, $0xF  }
.Ltmp2:
0x54: {  	(pc) =	sbr.rel @p0 .LBB2_5-.Ltmp2, $2  }
0x55: {  	_ =	sdelay $0x2  }
0x56: {  	s18 =	sshra.s32 s17, $0x2;
	s17 =	sadd.s32 $0x40, s17  }
0x57: {  	v7 =	vld [tilespmem:s18+$0x880];
	_ =	sdelay $0x4  }
0x58: {  	(xrf0) =	vadd.scan.msk.s32 $0xffff, v7;
	_ =	sdelay $0x3  }
0x59: {  	s17 =	spop (v2sf)  }
0x5a: {  	s17 =	sxor.u32 $0x80000000, s17  }
0x5b: {  	v8, _, _ =	vpop (xrf0);
	v9 =	vmov s17  }
0x5c: {  	v8 =	vadd.s32 v9, v8  }
0x5d: {  	v9 =	vxor.u32 $0x80000000, v8  }
0x5e: {  	(xrf0) =	vmax.scan.msk.u32 $0xffff, v9;
	_ =	sdelay $0x5  }
0x5f: {  	v9, _, _ =	vpop (xrf0)  }
0x60: {  	(v2sf) =	vpush v9, $0xF;
	_ =	sdelay $0x4  }
0x61: {  	vm0 =	vlt.s32 v8, v4  }
0x62: {  	v8 =	vsel vm0, $0x1, v0  }
0x63: {  	v6 =	vadd.s32 v8, v6  }
0x64: {  	(xrf0) =	vadd.scan.msk.s32 $0xffff, v6;
	_ =	sdelay $0x2  }
0x65: {  	v6 =	vnsel vm0, $0x0, v7;
	_ =	sdelay $0x2  }
0x66: {  	s18 =	simm.s32 $0x410;
	s19 =	simm.s32 $0xA10;
	v5 =	vadd.s32 v5, v6;
	v6, _, _ =	vpop (xrf0)  }
0x67: {  	[tilespmem:$0x980] =	vst v2;
	s20 =	simm.s32 $0x10;
	s17 =	simm.s32 $0xFFFFFFFE;
	v7 =	vimm.s32 $0x0;
	vm0 =	vgt.s32 v4, $0x0;
	v6 =	vbroadcast v6, $0xF;
	s31 =	spop (v2sf)  }
.LBB2_7:
0x68: {  	v8 =	vld [tilespmem:s18+$0xFFFFFFF0];
	_ =	sdelay $0x4  }
0x69: {  	v9 =	vshra.s32 v8, $0xF  }
0x6a: {  	vm1 =	veq.s32 v9, v6  }
0x6b: {  	v10 =	vsel vm1, $0x1, v0  }
0x6c: {  	(xrf0) =	vadd.scan.msk.s32 $0xffff, v10;
	_ =	sdelay $0x5  }
0x6d: {  	v10, _, _ =	vpop (xrf0)  }
0x6e: {  	v10 =	vadd.s32 v10, v7  }
0x6f: {  	v10 =	vadd.s32 $0xFFFFFFFF, v10  }
0x70: {  	v8 =	vshll.u32 v8, $0xA;
	vm2 =	vlt.s32 v9, v6  }
0x71: {  	s21 =	sadd.s32 $0xFFFFFFF0, s20;
	v8 =	vand.u32 $0x1FFFC00, v8;
	vm2 =	vmand vm0, vm2  }
0x72: {  	v8 =	vor.u32 s21, v8;
	v58 =	vsel vm2, $0x1, v0  }
0x73: {  	v8 =	vor.u32 v3, v8;
	[tilespmem:s19+$0xFFFFFFF0] =	vst v58  }
0x74: {  	[tilespmem:v10+s13+$0x0] =	vst.idx.msk vm1, v8  }
0x75: {  	v8 =	vld [tilespmem:s18+$0x0];
	_ =	sdelay $0x4  }
0x76: {  	v59 =	vshra.s32 v8, $0xF  }
0x77: {  	vm2 =	veq.s32 v59, v6  }
0x78: {  	v60 =	vsel vm2, $0x1, v0  }
0x79: {  	(xrf0) =	vadd.scan.msk.s32 $0xffff, v60;
	_ =	sdelay $0x3  }
0x7a: {  	v61 =	vmpcnt.ones.xlane vm1;
	_ =	sdelay $0x1  }
0x7b: {  	v7 =	vadd.s32 v7, v61;
	v62, _, _ =	vpop (xrf0)  }
0x7c: {  	s17 =	sadd.s32 $0x2, s17;
	v10 =	vadd.s32 v62, v7  }
0x7d: {  	p0 =	slt.u32 s17, $0x3E;
	v10 =	vadd.s32 $0xFFFFFFFF, v10  }
.Ltmp3:
0x7e: {  	v8 =	vshll.u32 v8, $0xA;
	vm1 =	vlt.s32 v59, v6;
	(pc) =	sbr.rel @p0 .LBB2_7-.Ltmp3, $4  }
0x7f: {  	v8 =	vand.u32 $0x1FFFC00, v8;
	vm1 =	vmand vm0, vm1  }
0x80: {  	v8 =	vor.u32 s20, v8;
	v11 =	vmpcnt.ones.xlane vm2;
	v63 =	vsel vm1, $0x1, v0  }
0x81: {  	v8 =	vor.u32 v3, v8;
	[tilespmem:s19+$0x0] =	vst v63  }
0x82: {  	s18 =	sadd.s32 $0x20, s18;
	s20 =	sadd.s32 $0x20, s20;
	s19 =	sadd.s32 $0x20, s19;
	v7 =	vadd.s32 v7, v11;
	[tilespmem:v10+s13+$0x0] =	vst.idx.msk vm2, v8  }
0x83: {  	v6 =	vld [tilespmem:$0x980];
	_ =	sdelay $0x4  }
0x84: {  	(xrf1) =	vsort.ascd.msk.u32 $0xffff, v6, v6;
	_ =	sdelay $0x6  }
0x85: {  	(xrf0) =	vadd.scan.msk.s32 $0xffff, v5;
	_ =	sdelay $0x5  }
0x86: {  	v5, _, _ =	vpop (xrf0)  }
0x87: {  	v6, _, _ =	vpop (xrf1)  }
0x88: {  	v5 =	vbroadcast v5, $0xF;
	vm1 =	vne.s32 v6, $0x7FFFFFFF  }
0x89: {  	v6 =	vand.u32 $0x3FF, v6  }
0x8a: {  	v4 =	vsub.s32 v4, v5  }
0x8b: {  	vm2 =	vgt.s32 v4, v3  }
0x8c: {  	s16 =	sadd.s32 $0x1, s16;
	vm0 =	vmand vm0, vm2  }
0x8d: {  	p0 =	sne.s32 s16, s6;
	v4 =	vsel vm0, $0x1, v0  }
.Ltmp4:
0x8e: {  	[tilespmem:v6+s14+$0x0] =	vst.idx.msk vm1, v4;
	(pc) =	sbr.rel @p0 .LBB2_2-.Ltmp4, $4  }
0x8f: {  	[hbm4b:s4+s7] =	stream.strided.scatter [tilespmem:s14], [sflag:$0x3], $0x400, s8, s7, $0x38;
	[tilespmem:$0xE00] =	vst v63  }
0x90: {  	_ =	swait.ge [sflag:s15], $0x400  }
0x91: {  	[sflag:s15] =	ssyncset.done $0x0  }
0x92: {  	[sflag:s15] =	ssyncadd.s32 $0xFFFFFC00  }
.LBB2_9:
0x93: {  	_ =	sfence.sel $0x180000  }
0x94: {  	[bflag:$0x0] =	sbarrier.arrive $0xFFFF  }
0x95: {  	p0 =	sne.s32 s2, $0x0;
	_ =	strace $0x90000047  }
0x96: {  	s0 =	sadd.s32 @!p0 $0x100000, s0;
	[bflag:$0x2] =	sbarrier.arrive $0xFFFF  }
0x97: {  	[sflag:s0] =	ssyncadd.tile.s32 @!p0 $0x1;
	_ =	shalt  }
.Lfunc_end2:
_tile_overlayer_lowered:
.L_overlay_start_2:
0x98: {  	(tag) =	ssettag $0x2  }
0x99: {  	s0 =	rddreg [dreg:$0x0];
	s2 =	stileid.u32  }
0x9a: {  	s1 =	rddreg [dreg:$0x1];
	p0 =	sne.s32 s2, $0x0  }
0x9b: {  	s3 =	rddreg [dreg:$0x2];
	[bflag:$0x3] =	sbarrier.arrive $0xFFFF;
	s2 =	simm.s32 @!p0 $0x1C03  }
0x9c: {  	[timem:s3], [sflag:s2] =	dma.local @!p0 [hbm:s0], s1  }
0x9d: {  	s0 =	simm.s32 @!p0 $0x3  }
0x9e: {  	_ =	swait.ge @!p0 [sflag:s0], s1  }
0x9f: {  	s1 =	ssub.s32 @!p0 $0x0, s1;
	[sflag:s0] =	ssyncset.done @!p0 $0x0  }
0xa0: {  	[sflag:s0] =	ssyncadd.s32 @!p0 s1  }
0xa1: {  	[bflag:$0x3] =	sbarrier.arrive $0xFFFF  }
0xa2: {  	_ =	shalt  }

</sc_bundles>
